<compile_context>
chip_gen: v7x
topology: tpu7x:2x2x1
jax: 0.10.2.dev20260603
libtpu: 0.0.44.dev20260713+nightly
codegen_flags: <defaults>
</compile_context>

<pallas_src>
import jax
import jax.numpy as jnp
from jax import lax
from jax.experimental import pallas as pl
from jax.experimental.pallas import tpu as pltpu
from jax.experimental.pallas import tpu_sc as plsc

B, L = 4096, 200
N = B * L
VOCAB = 1001
D = 128
NC, NS, LANES = 2, 16, 16
NW = NC * NS
ROWS_PER_W = N // NW
CHUNK = 128
NCHUNK = ROWS_PER_W // CHUNK
NPAIR = NCHUNK // 2


def _sc_body(codes_hbm, minutes_hbm, values_hbm, ctab_hbm, out_hbm,
             ctab_s, codes_v, minutes_v, vals_v, cbuf, tbuf, sems):
    wid = lax.axis_index("s") * NC + lax.axis_index("c")
    lane = lax.iota(jnp.int32, LANES)
    col127 = jnp.full((LANES,), D - 1, jnp.int32)
    isem, gsem, wsem = sems

    @pl.when(lax.axis_index("s") == 0)
    def _stage_tables():
        pltpu.sync_copy(ctab_hbm, ctab_s)
    plsc.subcore_barrier()

    def idx_copies(g, x):
        base = wid * ROWS_PER_W + g * CHUNK
        return (
            pltpu.make_async_copy(codes_hbm.at[pl.ds(base, CHUNK)],
                                  codes_v[x], isem[x]),
            pltpu.make_async_copy(minutes_hbm.at[pl.ds(base, CHUNK)],
                                  minutes_v[x], isem[x]),
            pltpu.make_async_copy(values_hbm.at[pl.ds(base, CHUNK)],
                                  vals_v[x], isem[x]),
        )

    def gather_copies(x):
        return (
            pltpu.make_async_copy(ctab_s.at[codes_v[x]], cbuf[x], gsem[x]),
            pltpu.make_async_copy(ctab_s.at[minutes_v[x]], tbuf[x], gsem[x]),
        )

    def wb_copies(g, x):
        base = wid * ROWS_PER_W + g * CHUNK
        return (
            pltpu.make_async_copy(
                cbuf[x], out_hbm.at[pl.ds(base, CHUNK), pl.ds(0, D)],
                wsem[x]),
            pltpu.make_async_copy(
                tbuf[x], out_hbm.at[pl.ds(base, CHUNK), pl.ds(D, D)],
                wsem[x]),
        )

    def run_chunk(p, x):
        g = 2 * p + x
        for c in idx_copies(g, x):
            c.wait()
        @pl.when(p >= 1)
        def _():
            for c in wb_copies(g, x):
                c.wait()
        for c in gather_copies(x):
            c.start()
        if x == 0:
            for c in idx_copies(g + 1, 1):
                c.start()
        else:
            @pl.when(p <= NPAIR - 2)
            def _():
                for c in idx_copies(g + 1, 0):
                    c.start()
        for c in gather_copies(x):
            c.wait()
        for i in range(CHUNK // LANES):
            v16 = vals_v[x][pl.ds(i * LANES, LANES)]
            row = i * LANES + lane
            plsc.store_scatter(cbuf[x], [row, col127], v16)
        for c in wb_copies(g, x):
            c.start()

    for c in idx_copies(0, 0):
        c.start()

    def pair_body(p, _):
        run_chunk(p, 0)
        run_chunk(p, 1)
        return ()

    lax.fori_loop(0, NPAIR, pair_body, ())
    for x in (0, 1):
        for c in wb_copies(0, x):
            c.wait()


@jax.jit
def kernel(codes, values, minutes, table, time_encoding):
    codes_f = codes.reshape(N)
    minutes_f = minutes.reshape(N) + VOCAB
    values_f = values.reshape(N)
    ctab = jnp.concatenate(
        [jnp.pad(table, ((0, 0), (0, 1))), time_encoding], axis=0)

    mesh = plsc.VectorSubcoreMesh(core_axis_name="c", subcore_axis_name="s",
                                  num_cores=NC, num_subcores=NS)
    out2 = pl.kernel(
        _sc_body,
        out_type=jax.ShapeDtypeStruct((N, 2 * D), jnp.float32),
        mesh=mesh,
        compiler_params=pltpu.CompilerParams(needs_layout_passes=False),
        scratch_types=[
            pltpu.VMEM_SHARED((VOCAB + 180, D), jnp.float32),
            [pltpu.VMEM((CHUNK,), jnp.int32)] * 2,
            [pltpu.VMEM((CHUNK,), jnp.int32)] * 2,
            [pltpu.VMEM((CHUNK,), jnp.float32)] * 2,
            [pltpu.VMEM((CHUNK, D), jnp.float32)] * 2,
            [pltpu.VMEM((CHUNK, D), jnp.float32)] * 2,
            [[pltpu.SemaphoreType.DMA] * 2] * 3,
        ],
    )(codes_f, minutes_f, values_f, ctab)
    return out2.reshape(B, L, 2 * D)

# --- scband reference (transcript-rebuilt; emitter-appended) ---
"""Pipeline reference for scband-patient-embedding-953482740180 (READ-ONLY COPY).

The authoritative reference and input builder live on the scoring server;
editing this copy changes nothing except your own understanding.
"""

import jax, jax.numpy as jnp
import numpy as np

MAX_LEN = 180
D_MODEL = 256
D_HALF = D_MODEL // 2          # 128 -> sinusoidal time encoding dim
EMB_DIM = D_HALF - 1           # 127 -> code embedding dim
VOCAB = 1001                   # 1 + len(tokenizer_codes)
B, L = 4096, 200


def _make_time_encoding(max_len=MAX_LEN, d=D_HALF):
    position = np.arange(max_len, dtype=np.float32)[:, None]
    div_term = np.exp(np.arange(0, d, 2, dtype=np.float32) * (-np.log(10000.0) / d))
    pe = np.zeros((max_len, d), dtype=np.float32)
    pe[:, 0::2] = np.sin(position * div_term)
    pe[:, 1::2] = np.cos(position * div_term)
    return jnp.asarray(pe)


def setup_inputs(seed: int = 0) -> dict:
    key = jax.random.key(seed)
    k1, k2, k3, k4 = jax.random.split(key, 4)
    codes = jax.random.randint(k1, (B, L), 0, VOCAB, dtype=jnp.int32)
    values = jax.random.normal(k2, (B, L), dtype=jnp.float32)
    minutes = jax.random.randint(k3, (B, L), 0, MAX_LEN, dtype=jnp.int32)
    # learned embedding table (padding_idx=0 row is zero, per nn.Embedding semantics)
    table = jax.random.normal(k4, (VOCAB, EMB_DIM), dtype=jnp.float32)
    table = table.at[0].set(0.0)
    time_encoding = _make_time_encoding()
    return {"codes": codes, "values": values, "minutes": minutes,
            "table": table, "time_encoding": time_encoding}


def reference(codes, values, minutes, table, time_encoding):
    # code_embedding = self.embedding(codes)
    code_embedding = jnp.take(table, codes, axis=0)              # [B, L, 127]
    # value_embedding = concat([code_embedding, values.unsqueeze(-1)], -1)
    value_embedding = jnp.concatenate(
        [code_embedding, values[..., None]], axis=-1)            # [B, L, 128]
    # time_embedding = self.time_encoding[minutes]
    time_embedding = jnp.take(time_encoding, minutes, axis=0)    # [B, L, 128]
    x = jnp.concatenate([value_embedding, time_embedding], axis=-1)  # [B, L, 256]
    return x

if __name__ == "__main__":
    import jax
    _d = setup_inputs()
    print(jax.jit(kernel)(*tuple(_d.values())))

</pallas_src>

<mosaic_0001>
#map = affine_map<(d0, d1) -> (0)>
#map1 = affine_map<(d0, d1) -> (0, 0)>
module attributes {stable_mosaic.version = 14 : i64} {
  func.func @_sc_body(%arg0: i32, %arg1: i32, %arg2: memref<819200xi32, #tpu.memory_space<hbm>>, %arg3: memref<819200xi32, #tpu.memory_space<hbm>>, %arg4: memref<819200xf32, #tpu.memory_space<hbm>>, %arg5: memref<1181x128xf32, #tpu.memory_space<hbm>>, %arg6: memref<819200x256xf32, #tpu.memory_space<hbm>>, %arg7: memref<1181x128xf32, #tpu.memory_space<vmem_shared>>, %arg8: memref<128xi32, #tpu.memory_space<vmem>>, %arg9: memref<128xi32, #tpu.memory_space<vmem>>, %arg10: memref<128xi32, #tpu.memory_space<vmem>>, %arg11: memref<128xi32, #tpu.memory_space<vmem>>, %arg12: memref<128xf32, #tpu.memory_space<vmem>>, %arg13: memref<128xf32, #tpu.memory_space<vmem>>, %arg14: memref<128x128xf32, #tpu.memory_space<vmem>>, %arg15: memref<128x128xf32, #tpu.memory_space<vmem>>, %arg16: memref<128x128xf32, #tpu.memory_space<vmem>>, %arg17: memref<128x128xf32, #tpu.memory_space<vmem>>, %arg18: memref<!tpu.dma_semaphore, #tpu.memory_space<semaphore_mem>>, %arg19: memref<!tpu.dma_semaphore, #tpu.memory_space<semaphore_mem>>, %arg20: memref<!tpu.dma_semaphore, #tpu.memory_space<semaphore_mem>>, %arg21: memref<!tpu.dma_semaphore, #tpu.memory_space<semaphore_mem>>, %arg22: memref<!tpu.dma_semaphore, #tpu.memory_space<semaphore_mem>>, %arg23: memref<!tpu.dma_semaphore, #tpu.memory_space<semaphore_mem>>) attributes {dimension_semantics = [#tpu.dimension_semantics<core_parallel>, #tpu.dimension_semantics<subcore_parallel>], iteration_bounds = array<i64: 2, 16>, scalar_prefetch = 0 : i64, scratch_operands = 17 : i64, tpu.core_type = #tpu.core_type<sc_vector_subcore>, window_params = [{transform_indices = #map}, {transform_indices = #map}, {transform_indices = #map}, {transform_indices = #map1}, {transform_indices = #map1}]} {
    %mul3A = arith.constant 2 : i32
    %mul3A_0 = arith.muli %arg1, %mul3A : i32
    %add3A = arith.addi %mul3A_0, %arg0 : i32
    %iota3A = tpu.iota {dimensions = array<i32: 0>} : vector<16xi32>
    %broadcast_in_dim3A = arith.constant 127 : i32
    %broadcast_in_dim3A_1 = vector.broadcast %broadcast_in_dim3A : i32 to vector<16xi32>
    %eq3A = arith.constant 0 : i32
    %eq3A_2 = arith.cmpi eq, %arg1, %eq3A : i32
    %convert_element_type3A = arith.extui %eq3A_2 : i1 to i32
    %cond3A = arith.constant 0 : i32
    %cond3A_3 = arith.cmpi ne, %convert_element_type3A, %cond3A : i32
    scf.if %cond3A_3 {
      "tpu.region"() ({
        %run_scoped3A = tpu.sem_alloc : memref<!tpu.dma_semaphore, #tpu.memory_space<semaphore_mem>>
        tpu.enqueue_dma source(%arg5 : memref<1181x128xf32, #tpu.memory_space<hbm>>) target(%arg7 : memref<1181x128xf32, #tpu.memory_space<vmem_shared>>) target_semaphore(%run_scoped3A : memref<!tpu.dma_semaphore, #tpu.memory_space<semaphore_mem>>)
        tpu.wait_dma2 semaphore(%run_scoped3A : memref<!tpu.dma_semaphore, #tpu.memory_space<semaphore_mem>>) src(%arg5 : memref<1181x128xf32, #tpu.memory_space<hbm>>) dst(%arg7 : memref<1181x128xf32, #tpu.memory_space<vmem_shared>>)
        tpu.yield
      }) : () -> ()
    } else {
    }
    %barrier3A = arith.constant 0 : index
    tpu.barrier barrier_id(%barrier3A)
    %mul3A_4 = arith.constant 25600 : i32
    %mul3A_5 = arith.muli %add3A, %mul3A_4 : i32
    %add3A_6 = arith.constant 0 : i32
    %add3A_7 = arith.addi %mul3A_5, %add3A_6 : i32
    %dma_start3A = tpu.memref_slice %arg2[%add3A_7] : memref<819200xi32, #tpu.memory_space<hbm>> -> memref<128xi32, #tpu.memory_space<hbm>>
    %dma_start3A_8 = tpu.memref_slice %arg2[%add3A_7] : memref<819200xi32, #tpu.memory_space<hbm>> -> memref<128xi32, #tpu.memory_space<hbm>>
    tpu.enqueue_dma source(%dma_start3A_8 : memref<128xi32, #tpu.memory_space<hbm>>) target(%arg8 : memref<128xi32, #tpu.memory_space<vmem>>) target_semaphore(%arg18 : memref<!tpu.dma_semaphore, #tpu.memory_space<semaphore_mem>>)
    %dma_start3A_9 = tpu.memref_slice %arg3[%add3A_7] : memref<819200xi32, #tpu.memory_space<hbm>> -> memref<128xi32, #tpu.memory_space<hbm>>
    %dma_start3A_10 = tpu.memref_slice %arg3[%add3A_7] : memref<819200xi32, #tpu.memory_space<hbm>> -> memref<128xi32, #tpu.memory_space<hbm>>
    tpu.enqueue_dma source(%dma_start3A_10 : memref<128xi32, #tpu.memory_space<hbm>>) target(%arg10 : memref<128xi32, #tpu.memory_space<vmem>>) target_semaphore(%arg18 : memref<!tpu.dma_semaphore, #tpu.memory_space<semaphore_mem>>)
    %dma_start3A_11 = tpu.memref_slice %arg4[%add3A_7] : memref<819200xf32, #tpu.memory_space<hbm>> -> memref<128xf32, #tpu.memory_space<hbm>>
    %dma_start3A_12 = tpu.memref_slice %arg4[%add3A_7] : memref<819200xf32, #tpu.memory_space<hbm>> -> memref<128xf32, #tpu.memory_space<hbm>>
    tpu.enqueue_dma source(%dma_start3A_12 : memref<128xf32, #tpu.memory_space<hbm>>) target(%arg12 : memref<128xf32, #tpu.memory_space<vmem>>) target_semaphore(%arg18 : memref<!tpu.dma_semaphore, #tpu.memory_space<semaphore_mem>>)
    %scan3A = arith.constant 0 : i32
    %scan3A_13 = arith.constant 100 : i32
    %scan3A_14 = arith.addi %scan3A, %scan3A_13 : i32
    %scan3A_15 = arith.constant 1 : i32
    scf.for %scan3A_40 = %scan3A to %scan3A_14 step %scan3A_15  : i32 {
      %mul3A_41 = arith.constant 2 : i32
      %mul3A_42 = arith.muli %mul3A_41, %scan3A_40 : i32
      %add3A_43 = arith.constant 0 : i32
      %add3A_44 = arith.addi %mul3A_42, %add3A_43 : i32
      %mul3A_45 = arith.constant 25600 : i32
      %mul3A_46 = arith.muli %add3A, %mul3A_45 : i32
      %mul3A_47 = arith.constant 128 : i32
      %mul3A_48 = arith.muli %add3A_44, %mul3A_47 : i32
      %add3A_49 = arith.addi %mul3A_46, %mul3A_48 : i32
      %dma_wait3A_50 = tpu.memref_slice %arg2[%add3A_49] : memref<819200xi32, #tpu.memory_space<hbm>> -> memref<128xi32, #tpu.memory_space<hbm>>
      %dma_wait3A_51 = tpu.memref_slice %arg2[%add3A_49] : memref<819200xi32, #tpu.memory_space<hbm>> -> memref<128xi32, #tpu.memory_space<hbm>>
      tpu.wait_dma2 semaphore(%arg18 : memref<!tpu.dma_semaphore, #tpu.memory_space<semaphore_mem>>) src(%dma_wait3A_51 : memref<128xi32, #tpu.memory_space<hbm>>) dst(%arg8 : memref<128xi32, #tpu.memory_space<vmem>>)
      %dma_wait3A_52 = tpu.memref_slice %arg3[%add3A_49] : memref<819200xi32, #tpu.memory_space<hbm>> -> memref<128xi32, #tpu.memory_space<hbm>>
      %dma_wait3A_53 = tpu.memref_slice %arg3[%add3A_49] : memref<819200xi32, #tpu.memory_space<hbm>> -> memref<128xi32, #tpu.memory_space<hbm>>
      tpu.wait_dma2 semaphore(%arg18 : memref<!tpu.dma_semaphore, #tpu.memory_space<semaphore_mem>>) src(%dma_wait3A_53 : memref<128xi32, #tpu.memory_space<hbm>>) dst(%arg10 : memref<128xi32, #tpu.memory_space<vmem>>)
      %dma_wait3A_54 = tpu.memref_slice %arg4[%add3A_49] : memref<819200xf32, #tpu.memory_space<hbm>> -> memref<128xf32, #tpu.memory_space<hbm>>
      %dma_wait3A_55 = tpu.memref_slice %arg4[%add3A_49] : memref<819200xf32, #tpu.memory_space<hbm>> -> memref<128xf32, #tpu.memory_space<hbm>>
      tpu.wait_dma2 semaphore(%arg18 : memref<!tpu.dma_semaphore, #tpu.memory_space<semaphore_mem>>) src(%dma_wait3A_55 : memref<128xf32, #tpu.memory_space<hbm>>) dst(%arg12 : memref<128xf32, #tpu.memory_space<vmem>>)
      %ge3A = arith.constant 1 : i32
      %ge3A_56 = arith.cmpi sge, %scan3A_40, %ge3A : i32
      %convert_element_type3A_57 = arith.extui %ge3A_56 : i1 to i32
      %cond3A_58 = arith.constant 0 : i32
      %cond3A_59 = arith.cmpi ne, %convert_element_type3A_57, %cond3A_58 : i32
      scf.if %cond3A_59 {
        %mul3A_226 = arith.constant 25600 : i32
        %mul3A_227 = arith.muli %add3A, %mul3A_226 : i32
        %mul3A_228 = arith.constant 128 : i32
        %mul3A_229 = arith.muli %add3A_44, %mul3A_228 : i32
        %add3A_230 = arith.addi %mul3A_227, %mul3A_229 : i32
        %dma_wait3A_231 = arith.constant 0 : i32
        %dma_wait3A_232 = tpu.memref_slice %arg6[%add3A_230, %dma_wait3A_231] : memref<819200x256xf32, #tpu.memory_space<hbm>> -> memref<128x128xf32, #tpu.memory_space<hbm>>
        %dma_wait3A_233 = arith.constant 0 : i32
        %dma_wait3A_234 = tpu.memref_slice %arg6[%add3A_230, %dma_wait3A_233] : memref<819200x256xf32, #tpu.memory_space<hbm>> -> memref<128x128xf32, #tpu.memory_space<hbm>>
        tpu.wait_dma2 semaphore(%arg22 : memref<!tpu.dma_semaphore, #tpu.memory_space<semaphore_mem>>) src(%arg14 : memref<128x128xf32, #tpu.memory_space<vmem>>) dst(%dma_wait3A_234 : memref<128x128xf32, #tpu.memory_space<hbm>>)
        %dma_wait3A_235 = arith.constant 128 : i32
        %dma_wait3A_236 = tpu.memref_slice %arg6[%add3A_230, %dma_wait3A_235] : memref<819200x256xf32, #tpu.memory_space<hbm>> -> memref<128x128xf32, #tpu.memory_space<hbm>>
        %dma_wait3A_237 = arith.constant 128 : i32
        %dma_wait3A_238 = tpu.memref_slice %arg6[%add3A_230, %dma_wait3A_237] : memref<819200x256xf32, #tpu.memory_space<hbm>> -> memref<128x128xf32, #tpu.memory_space<hbm>>
        tpu.wait_dma2 semaphore(%arg22 : memref<!tpu.dma_semaphore, #tpu.memory_space<semaphore_mem>>) src(%arg16 : memref<128x128xf32, #tpu.memory_space<vmem>>) dst(%dma_wait3A_238 : memref<128x128xf32, #tpu.memory_space<hbm>>)
      } else {
      }
      %dma_start3A_60 = arith.constant 0 : i32
      %dma_start3A_61 = arith.constant 0 : i32
      %dma_start3A_62 = tpu.memref_slice %arg7[%dma_start3A_60, %dma_start3A_61] : memref<1181x128xf32, #tpu.memory_space<vmem_shared>> -> memref<1181x128xf32, #tpu.memory_space<vmem_shared>>
      tpu.enqueue_indirect_dma source(%dma_start3A_62 : memref<1181x128xf32, #tpu.memory_space<vmem_shared>>) target(%arg14 : memref<128x128xf32, #tpu.memory_space<vmem>>) offsets(%arg8 : memref<128xi32, #tpu.memory_space<vmem>>) semaphore(%arg20 : memref<!tpu.dma_semaphore, #tpu.memory_space<semaphore_mem>>)
      %dma_start3A_63 = arith.constant 0 : i32
      %dma_start3A_64 = arith.constant 0 : i32
      %dma_start3A_65 = tpu.memref_slice %arg7[%dma_start3A_63, %dma_start3A_64] : memref<1181x128xf32, #tpu.memory_space<vmem_shared>> -> memref<1181x128xf32, #tpu.memory_space<vmem_shared>>
      tpu.enqueue_indirect_dma source(%dma_start3A_65 : memref<1181x128xf32, #tpu.memory_space<vmem_shared>>) target(%arg16 : memref<128x128xf32, #tpu.memory_space<vmem>>) offsets(%arg10 : memref<128xi32, #tpu.memory_space<vmem>>) semaphore(%arg20 : memref<!tpu.dma_semaphore, #tpu.memory_space<semaphore_mem>>)
      %add3A_66 = arith.constant 1 : i32
      %add3A_67 = arith.addi %add3A_44, %add3A_66 : i32
      %mul3A_68 = arith.constant 25600 : i32
      %mul3A_69 = arith.muli %add3A, %mul3A_68 : i32
      %mul3A_70 = arith.constant 128 : i32
      %mul3A_71 = arith.muli %add3A_67, %mul3A_70 : i32
      %add3A_72 = arith.addi %mul3A_69, %mul3A_71 : i32
      %dma_start3A_73 = tpu.memref_slice %arg2[%add3A_72] : memref<819200xi32, #tpu.memory_space<hbm>> -> memref<128xi32, #tpu.memory_space<hbm>>
      %dma_start3A_74 = tpu.memref_slice %arg2[%add3A_72] : memref<819200xi32, #tpu.memory_space<hbm>> -> memref<128xi32, #tpu.memory_space<hbm>>
      tpu.enqueue_dma source(%dma_start3A_74 : memref<128xi32, #tpu.memory_space<hbm>>) target(%arg9 : memref<128xi32, #tpu.memory_space<vmem>>) target_semaphore(%arg19 : memref<!tpu.dma_semaphore, #tpu.memory_space<semaphore_mem>>)
      %dma_start3A_75 = tpu.memref_slice %arg3[%add3A_72] : memref<819200xi32, #tpu.memory_space<hbm>> -> memref<128xi32, #tpu.memory_space<hbm>>
      %dma_start3A_76 = tpu.memref_slice %arg3[%add3A_72] : memref<819200xi32, #tpu.memory_space<hbm>> -> memref<128xi32, #tpu.memory_space<hbm>>
      tpu.enqueue_dma source(%dma_start3A_76 : memref<128xi32, #tpu.memory_space<hbm>>) target(%arg11 : memref<128xi32, #tpu.memory_space<vmem>>) target_semaphore(%arg19 : memref<!tpu.dma_semaphore, #tpu.memory_space<semaphore_mem>>)
      %dma_start3A_77 = tpu.memref_slice %arg4[%add3A_72] : memref<819200xf32, #tpu.memory_space<hbm>> -> memref<128xf32, #tpu.memory_space<hbm>>
      %dma_start3A_78 = tpu.memref_slice %arg4[%add3A_72] : memref<819200xf32, #tpu.memory_space<hbm>> -> memref<128xf32, #tpu.memory_space<hbm>>
      tpu.enqueue_dma source(%dma_start3A_78 : memref<128xf32, #tpu.memory_space<hbm>>) target(%arg13 : memref<128xf32, #tpu.memory_space<vmem>>) target_semaphore(%arg19 : memref<!tpu.dma_semaphore, #tpu.memory_space<semaphore_mem>>)
      %dma_wait3A_79 = arith.constant 0 : i32
      %dma_wait3A_80 = arith.constant 0 : i32
      %dma_wait3A_81 = tpu.memref_slice %arg7[%dma_wait3A_79, %dma_wait3A_80] : memref<1181x128xf32, #tpu.memory_space<vmem_shared>> -> memref<1181x128xf32, #tpu.memory_space<vmem_shared>>
      tpu.wait_indirect_dma semaphore(%arg20 : memref<!tpu.dma_semaphore, #tpu.memory_space<semaphore_mem>>) src(%dma_wait3A_81 : memref<1181x128xf32, #tpu.memory_space<vmem_shared>>) dst(%arg14 : memref<128x128xf32, #tpu.memory_space<vmem>>)
      %dma_wait3A_82 = arith.constant 0 : i32
      %dma_wait3A_83 = arith.constant 0 : i32
      %dma_wait3A_84 = tpu.memref_slice %arg7[%dma_wait3A_82, %dma_wait3A_83] : memref<1181x128xf32, #tpu.memory_space<vmem_shared>> -> memref<1181x128xf32, #tpu.memory_space<vmem_shared>>
      tpu.wait_indirect_dma semaphore(%arg20 : memref<!tpu.dma_semaphore, #tpu.memory_space<semaphore_mem>>) src(%dma_wait3A_84 : memref<1181x128xf32, #tpu.memory_space<vmem_shared>>) dst(%arg16 : memref<128x128xf32, #tpu.memory_space<vmem>>)
      %get3A = arith.constant 0 : index
      %get3A_85 = tpu.vector_load %arg12[%get3A] {strides = array<i32>} : memref<128xf32, #tpu.memory_space<vmem>>, vector<16xf32>,
      %add3A_86 = arith.constant 0 : i32
      %add3A_87 = vector.broadcast %add3A_86 : i32 to vector<16xi32>
      %add3A_88 = arith.addi %add3A_87, %iota3A : vector<16xi32>
      tpu.vector_store_idx %arg14[%add3A_88, %broadcast_in_dim3A_1], %get3A_85 : memref<128x128xf32, #tpu.memory_space<vmem>>[vector<16xi32>, vector<16xi32>], vector<16xf32>,
      %get3A_89 = arith.constant 16 : index
      %get3A_90 = tpu.vector_load %arg12[%get3A_89] {strides = array<i32>} : memref<128xf32, #tpu.memory_space<vmem>>, vector<16xf32>,
      %add3A_91 = arith.constant 16 : i32
      %add3A_92 = vector.broadcast %add3A_91 : i32 to vector<16xi32>
      %add3A_93 = arith.addi %add3A_92, %iota3A : vector<16xi32>
      tpu.vector_store_idx %arg14[%add3A_93, %broadcast_in_dim3A_1], %get3A_90 : memref<128x128xf32, #tpu.memory_space<vmem>>[vector<16xi32>, vector<16xi32>], vector<16xf32>,
      %get3A_94 = arith.constant 32 : index
      %get3A_95 = tpu.vector_load %arg12[%get3A_94] {strides = array<i32>} : memref<128xf32, #tpu.memory_space<vmem>>, vector<16xf32>,
      %add3A_96 = arith.constant 32 : i32
      %add3A_97 = vector.broadcast %add3A_96 : i32 to vector<16xi32>
      %add3A_98 = arith.addi %add3A_97, %iota3A : vector<16xi32>
      tpu.vector_store_idx %arg14[%add3A_98, %broadcast_in_dim3A_1], %get3A_95 : memref<128x128xf32, #tpu.memory_space<vmem>>[vector<16xi32>, vector<16xi32>], vector<16xf32>,
      %get3A_99 = arith.constant 48 : index
      %get3A_100 = tpu.vector_load %arg12[%get3A_99] {strides = array<i32>} : memref<128xf32, #tpu.memory_space<vmem>>, vector<16xf32>,
      %add3A_101 = arith.constant 48 : i32
      %add3A_102 = vector.broadcast %add3A_101 : i32 to vector<16xi32>
      %add3A_103 = arith.addi %add3A_102, %iota3A : vector<16xi32>
      tpu.vector_store_idx %arg14[%add3A_103, %broadcast_in_dim3A_1], %get3A_100 : memref<128x128xf32, #tpu.memory_space<vmem>>[vector<16xi32>, vector<16xi32>], vector<16xf32>,
      %get3A_104 = arith.constant 64 : index
      %get3A_105 = tpu.vector_load %arg12[%get3A_104] {strides = array<i32>} : memref<128xf32, #tpu.memory_space<vmem>>, vector<16xf32>,
      %add3A_106 = arith.constant 64 : i32
      %add3A_107 = vector.broadcast %add3A_106 : i32 to vector<16xi32>
      %add3A_108 = arith.addi %add3A_107, %iota3A : vector<16xi32>
      tpu.vector_store_idx %arg14[%add3A_108, %broadcast_in_dim3A_1], %get3A_105 : memref<128x128xf32, #tpu.memory_space<vmem>>[vector<16xi32>, vector<16xi32>], vector<16xf32>,
      %get3A_109 = arith.constant 80 : index
      %get3A_110 = tpu.vector_load %arg12[%get3A_109] {strides = array<i32>} : memref<128xf32, #tpu.memory_space<vmem>>, vector<16xf32>,
      %add3A_111 = arith.constant 80 : i32
      %add3A_112 = vector.broadcast %add3A_111 : i32 to vector<16xi32>
      %add3A_113 = arith.addi %add3A_112, %iota3A : vector<16xi32>
      tpu.vector_store_idx %arg14[%add3A_113, %broadcast_in_dim3A_1], %get3A_110 : memref<128x128xf32, #tpu.memory_space<vmem>>[vector<16xi32>, vector<16xi32>], vector<16xf32>,
      %get3A_114 = arith.constant 96 : index
      %get3A_115 = tpu.vector_load %arg12[%get3A_114] {strides = array<i32>} : memref<128xf32, #tpu.memory_space<vmem>>, vector<16xf32>,
      %add3A_116 = arith.constant 96 : i32
      %add3A_117 = vector.broadcast %add3A_116 : i32 to vector<16xi32>
      %add3A_118 = arith.addi %add3A_117, %iota3A : vector<16xi32>
      tpu.vector_store_idx %arg14[%add3A_118, %broadcast_in_dim3A_1], %get3A_115 : memref<128x128xf32, #tpu.memory_space<vmem>>[vector<16xi32>, vector<16xi32>], vector<16xf32>,
      %get3A_119 = arith.constant 112 : index
      %get3A_120 = tpu.vector_load %arg12[%get3A_119] {strides = array<i32>} : memref<128xf32, #tpu.memory_space<vmem>>, vector<16xf32>,
      %add3A_121 = arith.constant 112 : i32
      %add3A_122 = vector.broadcast %add3A_121 : i32 to vector<16xi32>
      %add3A_123 = arith.addi %add3A_122, %iota3A : vector<16xi32>
      tpu.vector_store_idx %arg14[%add3A_123, %broadcast_in_dim3A_1], %get3A_120 : memref<128x128xf32, #tpu.memory_space<vmem>>[vector<16xi32>, vector<16xi32>], vector<16xf32>,
      %mul3A_124 = arith.constant 25600 : i32
      %mul3A_125 = arith.muli %add3A, %mul3A_124 : i32
      %mul3A_126 = arith.constant 128 : i32
      %mul3A_127 = arith.muli %add3A_44, %mul3A_126 : i32
      %add3A_128 = arith.addi %mul3A_125, %mul3A_127 : i32
      %dma_start3A_129 = arith.constant 0 : i32
      %dma_start3A_130 = tpu.memref_slice %arg6[%add3A_128, %dma_start3A_129] : memref<819200x256xf32, #tpu.memory_space<hbm>> -> memref<128x128xf32, #tpu.memory_space<hbm>>
      %dma_start3A_131 = arith.constant 0 : i32
      %dma_start3A_132 = tpu.memref_slice %arg6[%add3A_128, %dma_start3A_131] : memref<819200x256xf32, #tpu.memory_space<hbm>> -> memref<128x128xf32, #tpu.memory_space<hbm>>
      tpu.enqueue_dma source(%arg14 : memref<128x128xf32, #tpu.memory_space<vmem>>) target(%dma_start3A_132 : memref<128x128xf32, #tpu.memory_space<hbm>>) target_semaphore(%arg22 : memref<!tpu.dma_semaphore, #tpu.memory_space<semaphore_mem>>)
      %dma_start3A_133 = arith.constant 128 : i32
      %dma_start3A_134 = tpu.memref_slice %arg6[%add3A_128, %dma_start3A_133] : memref<819200x256xf32, #tpu.memory_space<hbm>> -> memref<128x128xf32, #tpu.memory_space<hbm>>
      %dma_start3A_135 = arith.constant 128 : i32
      %dma_start3A_136 = tpu.memref_slice %arg6[%add3A_128, %dma_start3A_135] : memref<819200x256xf32, #tpu.memory_space<hbm>> -> memref<128x128xf32, #tpu.memory_space<hbm>>
      tpu.enqueue_dma source(%arg16 : memref<128x128xf32, #tpu.memory_space<vmem>>) target(%dma_start3A_136 : memref<128x128xf32, #tpu.memory_space<hbm>>) target_semaphore(%arg22 : memref<!tpu.dma_semaphore, #tpu.memory_space<semaphore_mem>>)
      %mul3A_137 = arith.constant 2 : i32
      %mul3A_138 = arith.muli %mul3A_137, %scan3A_40 : i32
      %add3A_139 = arith.constant 1 : i32
      %add3A_140 = arith.addi %mul3A_138, %add3A_139 : i32
      %mul3A_141 = arith.constant 25600 : i32
      %mul3A_142 = arith.muli %add3A, %mul3A_141 : i32
      %mul3A_143 = arith.constant 128 : i32
      %mul3A_144 = arith.muli %add3A_140, %mul3A_143 : i32
      %add3A_145 = arith.addi %mul3A_142, %mul3A_144 : i32
      %dma_wait3A_146 = tpu.memref_slice %arg2[%add3A_145] : memref<819200xi32, #tpu.memory_space<hbm>> -> memref<128xi32, #tpu.memory_space<hbm>>
      %dma_wait3A_147 = tpu.memref_slice %arg2[%add3A_145] : memref<819200xi32, #tpu.memory_space<hbm>> -> memref<128xi32, #tpu.memory_space<hbm>>
      tpu.wait_dma2 semaphore(%arg19 : memref<!tpu.dma_semaphore, #tpu.memory_space<semaphore_mem>>) src(%dma_wait3A_147 : memref<128xi32, #tpu.memory_space<hbm>>) dst(%arg9 : memref<128xi32, #tpu.memory_space<vmem>>)
      %dma_wait3A_148 = tpu.memref_slice %arg3[%add3A_145] : memref<819200xi32, #tpu.memory_space<hbm>> -> memref<128xi32, #tpu.memory_space<hbm>>
      %dma_wait3A_149 = tpu.memref_slice %arg3[%add3A_145] : memref<819200xi32, #tpu.memory_space<hbm>> -> memref<128xi32, #tpu.memory_space<hbm>>
      tpu.wait_dma2 semaphore(%arg19 : memref<!tpu.dma_semaphore, #tpu.memory_space<semaphore_mem>>) src(%dma_wait3A_149 : memref<128xi32, #tpu.memory_space<hbm>>) dst(%arg11 : memref<128xi32, #tpu.memory_space<vmem>>)
      %dma_wait3A_150 = tpu.memref_slice %arg4[%add3A_145] : memref<819200xf32, #tpu.memory_space<hbm>> -> memref<128xf32, #tpu.memory_space<hbm>>
      %dma_wait3A_151 = tpu.memref_slice %arg4[%add3A_145] : memref<819200xf32, #tpu.memory_space<hbm>> -> memref<128xf32, #tpu.memory_space<hbm>>
      tpu.wait_dma2 semaphore(%arg19 : memref<!tpu.dma_semaphore, #tpu.memory_space<semaphore_mem>>) src(%dma_wait3A_151 : memref<128xf32, #tpu.memory_space<hbm>>) dst(%arg13 : memref<128xf32, #tpu.memory_space<vmem>>)
      %ge3A_152 = arith.constant 1 : i32
      %ge3A_153 = arith.cmpi sge, %scan3A_40, %ge3A_152 : i32
      %convert_element_type3A_154 = arith.extui %ge3A_153 : i1 to i32
      %cond3A_155 = arith.constant 0 : i32
      %cond3A_156 = arith.cmpi ne, %convert_element_type3A_154, %cond3A_155 : i32
      scf.if %cond3A_156 {
        %mul3A_226 = arith.constant 25600 : i32
        %mul3A_227 = arith.muli %add3A, %mul3A_226 : i32
        %mul3A_228 = arith.constant 128 : i32
        %mul3A_229 = arith.muli %add3A_140, %mul3A_228 : i32
        %add3A_230 = arith.addi %mul3A_227, %mul3A_229 : i32
        %dma_wait3A_231 = arith.constant 0 : i32
        %dma_wait3A_232 = tpu.memref_slice %arg6[%add3A_230, %dma_wait3A_231] : memref<819200x256xf32, #tpu.memory_space<hbm>> -> memref<128x128xf32, #tpu.memory_space<hbm>>
        %dma_wait3A_233 = arith.constant 0 : i32
        %dma_wait3A_234 = tpu.memref_slice %arg6[%add3A_230, %dma_wait3A_233] : memref<819200x256xf32, #tpu.memory_space<hbm>> -> memref<128x128xf32, #tpu.memory_space<hbm>>
        tpu.wait_dma2 semaphore(%arg23 : memref<!tpu.dma_semaphore, #tpu.memory_space<semaphore_mem>>) src(%arg15 : memref<128x128xf32, #tpu.memory_space<vmem>>) dst(%dma_wait3A_234 : memref<128x128xf32, #tpu.memory_space<hbm>>)
        %dma_wait3A_235 = arith.constant 128 : i32
        %dma_wait3A_236 = tpu.memref_slice %arg6[%add3A_230, %dma_wait3A_235] : memref<819200x256xf32, #tpu.memory_space<hbm>> -> memref<128x128xf32, #tpu.memory_space<hbm>>
        %dma_wait3A_237 = arith.constant 128 : i32
        %dma_wait3A_238 = tpu.memref_slice %arg6[%add3A_230, %dma_wait3A_237] : memref<819200x256xf32, #tpu.memory_space<hbm>> -> memref<128x128xf32, #tpu.memory_space<hbm>>
        tpu.wait_dma2 semaphore(%arg23 : memref<!tpu.dma_semaphore, #tpu.memory_space<semaphore_mem>>) src(%arg17 : memref<128x128xf32, #tpu.memory_space<vmem>>) dst(%dma_wait3A_238 : memref<128x128xf32, #tpu.memory_space<hbm>>)
      } else {
      }
      %dma_start3A_157 = arith.constant 0 : i32
      %dma_start3A_158 = arith.constant 0 : i32
      %dma_start3A_159 = tpu.memref_slice %arg7[%dma_start3A_157, %dma_start3A_158] : memref<1181x128xf32, #tpu.memory_space<vmem_shared>> -> memref<1181x128xf32, #tpu.memory_space<vmem_shared>>
      tpu.enqueue_indirect_dma source(%dma_start3A_159 : memref<1181x128xf32, #tpu.memory_space<vmem_shared>>) target(%arg15 : memref<128x128xf32, #tpu.memory_space<vmem>>) offsets(%arg9 : memref<128xi32, #tpu.memory_space<vmem>>) semaphore(%arg21 : memref<!tpu.dma_semaphore, #tpu.memory_space<semaphore_mem>>)
      %dma_start3A_160 = arith.constant 0 : i32
      %dma_start3A_161 = arith.constant 0 : i32
      %dma_start3A_162 = tpu.memref_slice %arg7[%dma_start3A_160, %dma_start3A_161] : memref<1181x128xf32, #tpu.memory_space<vmem_shared>> -> memref<1181x128xf32, #tpu.memory_space<vmem_shared>>
      tpu.enqueue_indirect_dma source(%dma_start3A_162 : memref<1181x128xf32, #tpu.memory_space<vmem_shared>>) target(%arg17 : memref<128x128xf32, #tpu.memory_space<vmem>>) offsets(%arg11 : memref<128xi32, #tpu.memory_space<vmem>>) semaphore(%arg21 : memref<!tpu.dma_semaphore, #tpu.memory_space<semaphore_mem>>)
      %le3A = arith.constant 98 : i32
      %le3A_163 = arith.cmpi sle, %scan3A_40, %le3A : i32
      %convert_element_type3A_164 = arith.extui %le3A_163 : i1 to i32
      %cond3A_165 = arith.constant 0 : i32
      %cond3A_166 = arith.cmpi ne, %convert_element_type3A_164, %cond3A_165 : i32
      scf.if %cond3A_166 {
        %add3A_226 = arith.constant 1 : i32
        %add3A_227 = arith.addi %add3A_140, %add3A_226 : i32
        %mul3A_228 = arith.constant 25600 : i32
        %mul3A_229 = arith.muli %add3A, %mul3A_228 : i32
        %mul3A_230 = arith.constant 128 : i32
        %mul3A_231 = arith.muli %add3A_227, %mul3A_230 : i32
        %add3A_232 = arith.addi %mul3A_229, %mul3A_231 : i32
        %dma_start3A_233 = tpu.memref_slice %arg2[%add3A_232] : memref<819200xi32, #tpu.memory_space<hbm>> -> memref<128xi32, #tpu.memory_space<hbm>>
        %dma_start3A_234 = tpu.memref_slice %arg2[%add3A_232] : memref<819200xi32, #tpu.memory_space<hbm>> -> memref<128xi32, #tpu.memory_space<hbm>>
        tpu.enqueue_dma source(%dma_start3A_234 : memref<128xi32, #tpu.memory_space<hbm>>) target(%arg8 : memref<128xi32, #tpu.memory_space<vmem>>) target_semaphore(%arg18 : memref<!tpu.dma_semaphore, #tpu.memory_space<semaphore_mem>>)
        %dma_start3A_235 = tpu.memref_slice %arg3[%add3A_232] : memref<819200xi32, #tpu.memory_space<hbm>> -> memref<128xi32, #tpu.memory_space<hbm>>
        %dma_start3A_236 = tpu.memref_slice %arg3[%add3A_232] : memref<819200xi32, #tpu.memory_space<hbm>> -> memref<128xi32, #tpu.memory_space<hbm>>
        tpu.enqueue_dma source(%dma_start3A_236 : memref<128xi32, #tpu.memory_space<hbm>>) target(%arg10 : memref<128xi32, #tpu.memory_space<vmem>>) target_semaphore(%arg18 : memref<!tpu.dma_semaphore, #tpu.memory_space<semaphore_mem>>)
        %dma_start3A_237 = tpu.memref_slice %arg4[%add3A_232] : memref<819200xf32, #tpu.memory_space<hbm>> -> memref<128xf32, #tpu.memory_space<hbm>>
        %dma_start3A_238 = tpu.memref_slice %arg4[%add3A_232] : memref<819200xf32, #tpu.memory_space<hbm>> -> memref<128xf32, #tpu.memory_space<hbm>>
        tpu.enqueue_dma source(%dma_start3A_238 : memref<128xf32, #tpu.memory_space<hbm>>) target(%arg12 : memref<128xf32, #tpu.memory_space<vmem>>) target_semaphore(%arg18 : memref<!tpu.dma_semaphore, #tpu.memory_space<semaphore_mem>>)
      } else {
      }
      %dma_wait3A_167 = arith.constant 0 : i32
      %dma_wait3A_168 = arith.constant 0 : i32
      %dma_wait3A_169 = tpu.memref_slice %arg7[%dma_wait3A_167, %dma_wait3A_168] : memref<1181x128xf32, #tpu.memory_space<vmem_shared>> -> memref<1181x128xf32, #tpu.memory_space<vmem_shared>>
      tpu.wait_indirect_dma semaphore(%arg21 : memref<!tpu.dma_semaphore, #tpu.memory_space<semaphore_mem>>) src(%dma_wait3A_169 : memref<1181x128xf32, #tpu.memory_space<vmem_shared>>) dst(%arg15 : memref<128x128xf32, #tpu.memory_space<vmem>>)
      %dma_wait3A_170 = arith.constant 0 : i32
      %dma_wait3A_171 = arith.constant 0 : i32
      %dma_wait3A_172 = tpu.memref_slice %arg7[%dma_wait3A_170, %dma_wait3A_171] : memref<1181x128xf32, #tpu.memory_space<vmem_shared>> -> memref<1181x128xf32, #tpu.memory_space<vmem_shared>>
      tpu.wait_indirect_dma semaphore(%arg21 : memref<!tpu.dma_semaphore, #tpu.memory_space<semaphore_mem>>) src(%dma_wait3A_172 : memref<1181x128xf32, #tpu.memory_space<vmem_shared>>) dst(%arg17 : memref<128x128xf32, #tpu.memory_space<vmem>>)
      %get3A_173 = arith.constant 0 : index
      %get3A_174 = tpu.vector_load %arg13[%get3A_173] {strides = array<i32>} : memref<128xf32, #tpu.memory_space<vmem>>, vector<16xf32>,
      %add3A_175 = arith.constant 0 : i32
      %add3A_176 = vector.broadcast %add3A_175 : i32 to vector<16xi32>
      %add3A_177 = arith.addi %add3A_176, %iota3A : vector<16xi32>
      tpu.vector_store_idx %arg15[%add3A_177, %broadcast_in_dim3A_1], %get3A_174 : memref<128x128xf32, #tpu.memory_space<vmem>>[vector<16xi32>, vector<16xi32>], vector<16xf32>,
      %get3A_178 = arith.constant 16 : index
      %get3A_179 = tpu.vector_load %arg13[%get3A_178] {strides = array<i32>} : memref<128xf32, #tpu.memory_space<vmem>>, vector<16xf32>,
      %add3A_180 = arith.constant 16 : i32
      %add3A_181 = vector.broadcast %add3A_180 : i32 to vector<16xi32>
      %add3A_182 = arith.addi %add3A_181, %iota3A : vector<16xi32>
      tpu.vector_store_idx %arg15[%add3A_182, %broadcast_in_dim3A_1], %get3A_179 : memref<128x128xf32, #tpu.memory_space<vmem>>[vector<16xi32>, vector<16xi32>], vector<16xf32>,
      %get3A_183 = arith.constant 32 : index
      %get3A_184 = tpu.vector_load %arg13[%get3A_183] {strides = array<i32>} : memref<128xf32, #tpu.memory_space<vmem>>, vector<16xf32>,
      %add3A_185 = arith.constant 32 : i32
      %add3A_186 = vector.broadcast %add3A_185 : i32 to vector<16xi32>
      %add3A_187 = arith.addi %add3A_186, %iota3A : vector<16xi32>
      tpu.vector_store_idx %arg15[%add3A_187, %broadcast_in_dim3A_1], %get3A_184 : memref<128x128xf32, #tpu.memory_space<vmem>>[vector<16xi32>, vector<16xi32>], vector<16xf32>,
      %get3A_188 = arith.constant 48 : index
      %get3A_189 = tpu.vector_load %arg13[%get3A_188] {strides = array<i32>} : memref<128xf32, #tpu.memory_space<vmem>>, vector<16xf32>,
      %add3A_190 = arith.constant 48 : i32
      %add3A_191 = vector.broadcast %add3A_190 : i32 to vector<16xi32>
      %add3A_192 = arith.addi %add3A_191, %iota3A : vector<16xi32>
      tpu.vector_store_idx %arg15[%add3A_192, %broadcast_in_dim3A_1], %get3A_189 : memref<128x128xf32, #tpu.memory_space<vmem>>[vector<16xi32>, vector<16xi32>], vector<16xf32>,
      %get3A_193 = arith.constant 64 : index
      %get3A_194 = tpu.vector_load %arg13[%get3A_193] {strides = array<i32>} : memref<128xf32, #tpu.memory_space<vmem>>, vector<16xf32>,
      %add3A_195 = arith.constant 64 : i32
      %add3A_196 = vector.broadcast %add3A_195 : i32 to vector<16xi32>
      %add3A_197 = arith.addi %add3A_196, %iota3A : vector<16xi32>
      tpu.vector_store_idx %arg15[%add3A_197, %broadcast_in_dim3A_1], %get3A_194 : memref<128x128xf32, #tpu.memory_space<vmem>>[vector<16xi32>, vector<16xi32>], vector<16xf32>,
      %get3A_198 = arith.constant 80 : index
      %get3A_199 = tpu.vector_load %arg13[%get3A_198] {strides = array<i32>} : memref<128xf32, #tpu.memory_space<vmem>>, vector<16xf32>,
      %add3A_200 = arith.constant 80 : i32
      %add3A_201 = vector.broadcast %add3A_200 : i32 to vector<16xi32>
      %add3A_202 = arith.addi %add3A_201, %iota3A : vector<16xi32>
      tpu.vector_store_idx %arg15[%add3A_202, %broadcast_in_dim3A_1], %get3A_199 : memref<128x128xf32, #tpu.memory_space<vmem>>[vector<16xi32>, vector<16xi32>], vector<16xf32>,
      %get3A_203 = arith.constant 96 : index
      %get3A_204 = tpu.vector_load %arg13[%get3A_203] {strides = array<i32>} : memref<128xf32, #tpu.memory_space<vmem>>, vector<16xf32>,
      %add3A_205 = arith.constant 96 : i32
      %add3A_206 = vector.broadcast %add3A_205 : i32 to vector<16xi32>
      %add3A_207 = arith.addi %add3A_206, %iota3A : vector<16xi32>
      tpu.vector_store_idx %arg15[%add3A_207, %broadcast_in_dim3A_1], %get3A_204 : memref<128x128xf32, #tpu.memory_space<vmem>>[vector<16xi32>, vector<16xi32>], vector<16xf32>,
      %get3A_208 = arith.constant 112 : index
      %get3A_209 = tpu.vector_load %arg13[%get3A_208] {strides = array<i32>} : memref<128xf32, #tpu.memory_space<vmem>>, vector<16xf32>,
      %add3A_210 = arith.constant 112 : i32
      %add3A_211 = vector.broadcast %add3A_210 : i32 to vector<16xi32>
      %add3A_212 = arith.addi %add3A_211, %iota3A : vector<16xi32>
      tpu.vector_store_idx %arg15[%add3A_212, %broadcast_in_dim3A_1], %get3A_209 : memref<128x128xf32, #tpu.memory_space<vmem>>[vector<16xi32>, vector<16xi32>], vector<16xf32>,
      %mul3A_213 = arith.constant 25600 : i32
      %mul3A_214 = arith.muli %add3A, %mul3A_213 : i32
      %mul3A_215 = arith.constant 128 : i32
      %mul3A_216 = arith.muli %add3A_140, %mul3A_215 : i32
      %add3A_217 = arith.addi %mul3A_214, %mul3A_216 : i32
      %dma_start3A_218 = arith.constant 0 : i32
      %dma_start3A_219 = tpu.memref_slice %arg6[%add3A_217, %dma_start3A_218] : memref<819200x256xf32, #tpu.memory_space<hbm>> -> memref<128x128xf32, #tpu.memory_space<hbm>>
      %dma_start3A_220 = arith.constant 0 : i32
      %dma_start3A_221 = tpu.memref_slice %arg6[%add3A_217, %dma_start3A_220] : memref<819200x256xf32, #tpu.memory_space<hbm>> -> memref<128x128xf32, #tpu.memory_space<hbm>>
      tpu.enqueue_dma source(%arg15 : memref<128x128xf32, #tpu.memory_space<vmem>>) target(%dma_start3A_221 : memref<128x128xf32, #tpu.memory_space<hbm>>) target_semaphore(%arg23 : memref<!tpu.dma_semaphore, #tpu.memory_space<semaphore_mem>>)
      %dma_start3A_222 = arith.constant 128 : i32
      %dma_start3A_223 = tpu.memref_slice %arg6[%add3A_217, %dma_start3A_222] : memref<819200x256xf32, #tpu.memory_space<hbm>> -> memref<128x128xf32, #tpu.memory_space<hbm>>
      %dma_start3A_224 = arith.constant 128 : i32
      %dma_start3A_225 = tpu.memref_slice %arg6[%add3A_217, %dma_start3A_224] : memref<819200x256xf32, #tpu.memory_space<hbm>> -> memref<128x128xf32, #tpu.memory_space<hbm>>
      tpu.enqueue_dma source(%arg17 : memref<128x128xf32, #tpu.memory_space<vmem>>) target(%dma_start3A_225 : memref<128x128xf32, #tpu.memory_space<hbm>>) target_semaphore(%arg23 : memref<!tpu.dma_semaphore, #tpu.memory_space<semaphore_mem>>)
    }
    %scan3A_16 = arith.constant 100 : i32
    %mul3A_17 = arith.constant 25600 : i32
    %mul3A_18 = arith.muli %add3A, %mul3A_17 : i32
    %add3A_19 = arith.constant 0 : i32
    %add3A_20 = arith.addi %mul3A_18, %add3A_19 : i32
    %dma_wait3A = arith.constant 0 : i32
    %dma_wait3A_21 = tpu.memref_slice %arg6[%add3A_20, %dma_wait3A] : memref<819200x256xf32, #tpu.memory_space<hbm>> -> memref<128x128xf32, #tpu.memory_space<hbm>>
    %dma_wait3A_22 = arith.constant 0 : i32
    %dma_wait3A_23 = tpu.memref_slice %arg6[%add3A_20, %dma_wait3A_22] : memref<819200x256xf32, #tpu.memory_space<hbm>> -> memref<128x128xf32, #tpu.memory_space<hbm>>
    tpu.wait_dma2 semaphore(%arg22 : memref<!tpu.dma_semaphore, #tpu.memory_space<semaphore_mem>>) src(%arg14 : memref<128x128xf32, #tpu.memory_space<vmem>>) dst(%dma_wait3A_23 : memref<128x128xf32, #tpu.memory_space<hbm>>)
    %dma_wait3A_24 = arith.constant 128 : i32
    %dma_wait3A_25 = tpu.memref_slice %arg6[%add3A_20, %dma_wait3A_24] : memref<819200x256xf32, #tpu.memory_space<hbm>> -> memref<128x128xf32, #tpu.memory_space<hbm>>
    %dma_wait3A_26 = arith.constant 128 : i32
    %dma_wait3A_27 = tpu.memref_slice %arg6[%add3A_20, %dma_wait3A_26] : memref<819200x256xf32, #tpu.memory_space<hbm>> -> memref<128x128xf32, #tpu.memory_space<hbm>>
    tpu.wait_dma2 semaphore(%arg22 : memref<!tpu.dma_semaphore, #tpu.memory_space<semaphore_mem>>) src(%arg16 : memref<128x128xf32, #tpu.memory_space<vmem>>) dst(%dma_wait3A_27 : memref<128x128xf32, #tpu.memory_space<hbm>>)
    %mul3A_28 = arith.constant 25600 : i32
    %mul3A_29 = arith.muli %add3A, %mul3A_28 : i32
    %add3A_30 = arith.constant 0 : i32
    %add3A_31 = arith.addi %mul3A_29, %add3A_30 : i32
    %dma_wait3A_32 = arith.constant 0 : i32
    %dma_wait3A_33 = tpu.memref_slice %arg6[%add3A_31, %dma_wait3A_32] : memref<819200x256xf32, #tpu.memory_space<hbm>> -> memref<128x128xf32, #tpu.memory_space<hbm>>
    %dma_wait3A_34 = arith.constant 0 : i32
    %dma_wait3A_35 = tpu.memref_slice %arg6[%add3A_31, %dma_wait3A_34] : memref<819200x256xf32, #tpu.memory_space<hbm>> -> memref<128x128xf32, #tpu.memory_space<hbm>>
    tpu.wait_dma2 semaphore(%arg23 : memref<!tpu.dma_semaphore, #tpu.memory_space<semaphore_mem>>) src(%arg15 : memref<128x128xf32, #tpu.memory_space<vmem>>) dst(%dma_wait3A_35 : memref<128x128xf32, #tpu.memory_space<hbm>>)
    %dma_wait3A_36 = arith.constant 128 : i32
    %dma_wait3A_37 = tpu.memref_slice %arg6[%add3A_31, %dma_wait3A_36] : memref<819200x256xf32, #tpu.memory_space<hbm>> -> memref<128x128xf32, #tpu.memory_space<hbm>>
    %dma_wait3A_38 = arith.constant 128 : i32
    %dma_wait3A_39 = tpu.memref_slice %arg6[%add3A_31, %dma_wait3A_38] : memref<819200x256xf32, #tpu.memory_space<hbm>> -> memref<128x128xf32, #tpu.memory_space<hbm>>
    tpu.wait_dma2 semaphore(%arg23 : memref<!tpu.dma_semaphore, #tpu.memory_space<semaphore_mem>>) src(%arg17 : memref<128x128xf32, #tpu.memory_space<vmem>>) dst(%dma_wait3A_39 : memref<128x128xf32, #tpu.memory_space<hbm>>)
    return
  }
}

</mosaic_0001>

<sc_bundles>
// kernel: kernel.3.cloned.1.call-start
scs
__scs_entry_jumppad:
0x0: {  	(pc) =	sbr.rel $0x88, $3  }
0x1: {  	(tag) =	ssettag $0x0;
	lr =	simm.s32 $0x1  }
0x2: {  	[smem:$0x3F9C] =	sst lr;
	_ =	strace $0xD0000000  }
0x3: {  	_ = 	snop  }
0x4: {  	_ = 	snop  }
0x5: {  	_ = 	snop  }
0x6: {  	_ = 	snop  }
0x7: {  	_ = 	snop  }
__scs_overlays_trampoline_lowered:
0x8: {  	[smem:$0x3FAB] =	sst s0  }
0x9: {  	[smem:$0x3FAC] =	sst s1  }
0xa: {  	[smem:$0x3FAD] =	sst s2  }
0xb: {  	[smem:$0x3FAE] =	sst s3  }
0xc: {  	[smem:$0x3FAF] =	sst s4  }
0xd: {  	[smem:$0x3FB0] =	sst s5  }
0xe: {  	[smem:$0x3FB1] =	sst s6  }
0xf: {  	[smem:$0x3FB2] =	sst s7  }
0x10: {  	[smem:$0x3FB3] =	sst s8  }
0x11: {  	[smem:$0x3FB4] =	sst s9;
	s0 =	simm.s32 @!p0 $0x0  }
0x12: {  	s1 =	sld [smem:$0x3F9A];
	s0 =	simm.s32 @p0 $0x1  }
0x13: {  	[smem:$0x3FB5] =	sst s0;
	s0 =	simm.s32 @!p1 $0x0  }
0x14: {  	s2 =	sld [smem:$0x3F99];
	s0 =	simm.s32 @p1 $0x1  }
0x15: {  	[smem:$0x3FB6] =	sst s0;
	s0 =	simm.s32 @!p2 $0x0  }
0x16: {  	s3 =	sld [smem:$0x3FDB];
	s0 =	simm.s32 @p2 $0x1  }
0x17: {  	s4 =	simm.s32 $0x1BF5;
	[smem:$0x3FB8] =	sst s0  }
0x18: {  	s0 =	sld [smem:$0x3F9B];
	_ =	swait.ge [sflag:s4], $0x0  }
0x19: {  	s7 =	sld [smem:$0x3F9C]  }
0x1a: {  	s8 =	sadd.s32 $0xFFFFE003, lr  }
0x1b: {  	s9 =	sadd.s32 $0xFFFFFEF7, lr;
	s5 =	simm.s32 $0xFFFFFFFF;
	p2 =	slt.u32 s8, $0xFFFFF086  }
0x1c: {  	p1 =	slt.u32 s9, $0xF7A;
	s5 =	simm.s32 @!p2 $0x0  }
0x1d: {  	s5 =	simm.s32 @p1 $0x1;
	p0 =	seq.s32 s7, s2  }
0x1e: {  	s7 =	smul.u32 @!p0 $0xF7A, s2;
	p2 =	seq.s32 @!p0 s5, $0x0  }
0x1f: {  	s9 =	smul.u32 $0xF7A, s1;
	s8 =	simm.s32 @!p0 $0x1BF5;
	p2 =	por !p2, p0  }
0x20: {  	[sflag:s8] =	ssyncset.s32 @!p0 $0xFFFFF086;
	s6 =	sadd.s32 @!p0 s3, s7;
	s7 =	simm.s32 @!p0 $0x108  }
0x21: {  	s3 =	sadd.s32 s3, s9;
	s6 =	sadd.s32 @!p0 $0x88, s6;
	s7 =	simm.s32 @p2 $0x1082  }
0x22: {  	[simem:s7], [sflag:s8] =	dma.local @!p0 [hbm:s6], $0xF7A  }
0x23: {  	s9 =	sor.u32 $0xD0000000, s2;
	s6 =	simm.s32 $0x108;
	_ =	swait.ge @!p0 [sflag:s8], $0x0  }
0x24: {  	s3 =	sadd.s32 $0x88, s3;
	s6 =	simm.s32 @!p1 $0x1082;
	[sflag:s4] =	ssyncset.s32 $0xFFFFF086  }
0x25: {  	[simem:s6], [sflag:s4] =	dma.local [hbm:s3], $0xF7A  }
0x26: {  	[smem:$0x3F9C] =	sst s1;
	(tag) =	ssettag s2;
	_ =	strace s9  }
0x27: {  	s1 =	sld [smem:$0x3FAC]  }
0x28: {  	s2 =	sld [smem:$0x3FAD]  }
0x29: {  	s4 =	sld [smem:$0x3FAF]  }
0x2a: {  	p0 =	seq.s32 s5, $0x0;
	s5 =	sld [smem:$0x3FB0]  }
0x2b: {  	s6 =	sld [smem:$0x3FB1]  }
0x2c: {  	s7 =	sld [smem:$0x3FB2]  }
0x2d: {  	s3 =	simm.s32 $0x108;
	s8 =	sld [smem:$0x3FB3]  }
0x2e: {  	s3 =	simm.s32 @!p0 $0x1082;
	s9 =	sld [smem:$0x3FB4]  }
0x2f: {  	lr =	sadd.s32 s0, s3;
	s0 =	sld [smem:$0x3FAB]  }
0x30: {  	s3 =	sld [smem:$0x3FAE]  }
0x31: {  	[smem:$0x3FB7] =	sst s10  }
0x32: {  	s10 =	sld [smem:$0x3FB5];
	_ =	sdelay $0x3  }
0x33: {  	p0 =	seq.s32 s10, $0x1;
	s10 =	sld [smem:$0x3FB7];
	_ =	sdelay $0x3  }
0x34: {  	[smem:$0x3FB7] =	sst s10  }
0x35: {  	s10 =	sld [smem:$0x3FB6];
	_ =	sdelay $0x3  }
0x36: {  	p1 =	seq.s32 s10, $0x1;
	s10 =	sld [smem:$0x3FB7];
	_ =	sdelay $0x3  }
0x37: {  	[smem:$0x3FB7] =	sst s10  }
0x38: {  	s10 =	sld [smem:$0x3FB8]  }
0x39: {  	_ = 	snop;
	(pc) =	sbr.ind lr, $3  }
0x3a: {  	_ = 	snop  }
0x3b: {  	_ = 	snop  }
0x3c: {  	p2 =	seq.s32 s10, $0x1;
	s10 =	sld [smem:$0x3FB7]  }
0x3d: {  	_ =	shalt  }
0x3e: {  	_ =	shalt  }
0x3f: {  	_ =	shalt  }
0x40: {  	_ =	shalt  }
0x41: {  	_ =	shalt  }
0x42: {  	_ =	shalt  }
0x43: {  	_ =	shalt  }
0x44: {  	_ =	shalt  }
0x45: {  	_ =	shalt  }
0x46: {  	_ =	shalt  }
0x47: {  	_ =	shalt  }
0x48: {  	_ =	shalt  }
0x49: {  	_ =	shalt  }
0x4a: {  	_ =	shalt  }
0x4b: {  	_ =	shalt  }
0x4c: {  	_ =	shalt  }
0x4d: {  	_ =	shalt  }
0x4e: {  	_ =	shalt  }
0x4f: {  	_ =	shalt  }
0x50: {  	_ =	shalt  }
0x51: {  	_ =	shalt  }
0x52: {  	_ =	shalt  }
0x53: {  	_ =	shalt  }
0x54: {  	_ =	shalt  }
0x55: {  	_ =	shalt  }
0x56: {  	_ =	shalt  }
0x57: {  	_ =	shalt  }
0x58: {  	_ =	shalt  }
0x59: {  	_ =	shalt  }
0x5a: {  	_ =	shalt  }
0x5b: {  	_ =	shalt  }
0x5c: {  	_ =	shalt  }
0x5d: {  	_ =	shalt  }
0x5e: {  	_ =	shalt  }
0x5f: {  	_ =	shalt  }
0x60: {  	_ =	shalt  }
0x61: {  	_ =	shalt  }
0x62: {  	_ =	shalt  }
0x63: {  	_ =	shalt  }
0x64: {  	_ =	shalt  }
0x65: {  	_ =	shalt  }
0x66: {  	_ =	shalt  }
0x67: {  	_ =	shalt  }
0x68: {  	_ =	shalt  }
0x69: {  	_ =	shalt  }
0x6a: {  	_ =	shalt  }
0x6b: {  	_ =	shalt  }
0x6c: {  	_ =	shalt  }
0x6d: {  	_ =	shalt  }
0x6e: {  	_ =	shalt  }
0x6f: {  	_ =	shalt  }
0x70: {  	_ =	shalt  }
0x71: {  	_ =	shalt  }
0x72: {  	_ =	shalt  }
0x73: {  	_ =	shalt  }
0x74: {  	_ =	shalt  }
0x75: {  	_ =	shalt  }
0x76: {  	_ =	shalt  }
0x77: {  	_ =	shalt  }
0x78: {  	_ =	shalt  }
0x79: {  	_ =	shalt  }
0x7a: {  	_ =	shalt  }
0x7b: {  	_ =	shalt  }
0x7c: {  	_ =	shalt  }
0x7d: {  	_ =	shalt  }
0x7e: {  	_ =	shalt  }
0x7f: {  	_ =	shalt  }
0x80: {  	_ =	shalt  }
0x81: {  	_ =	shalt  }
0x82: {  	_ =	shalt  }
0x83: {  	_ =	shalt  }
0x84: {  	_ =	shalt  }
0x85: {  	_ =	shalt  }
0x86: {  	_ =	shalt  }
0x87: {  	_ =	shalt  }
.Lfunc_end0:
.L_simem_size_0:
called_computation_lowered:
.L_overlay_start_0:
0x88: {  	s2 =	sld [smem:$0x3FD9]  }
0x89: {  	s3 =	sld [smem:$0x3FFE];
	_ =	sdelay $0x1  }
0x8a: {  	s1 =	srdreg.scid  }
0x8b: {  	s0 =	sand.u32 $0x1, s1  }
0x8c: {  	s17 =	sshll.u32 s0, $0xA;
	s2 =	sadd.s32 s3, s2  }
0x8d: {  	s2 =	sadd.s32 s2, s17  }
0x8e: {  	[smem:$0x3FC3] =	sst s2  }
0x8f: {  	_ = 	snop  }
0x90: {  	s2 =	sld [smem:$0x3FD0];
	(tm) =	ssettm $0x1  }
0x91: {  	s18 =	sld [smem:$0x3FFB];
	_ =	sdelay $0x3  }
0x92: {  	_ =	strace s18  }
0x93: {  	s3 =	sld [smem:$0x3FFC];
	_ =	sdelay $0x3  }
0x94: {  	_ =	strace s3  }
0x95: {  	s3 =	sld [smem:$0x3FFD];
	_ =	sdelay $0x3  }
0x96: {  	_ =	strace s3  }
0x97: {  	_ =	strace $0x8FFFFFFF  }
0x98: {  	s19 =	sld [smem:$0x3FDB];
	_ =	sdelay $0x1  }
0x99: {  	s4 =	simm.s32 $_scs_section_size  }
0x9a: {  	s5 =	simm.s32 $_size__tile_overlayer_lowered;
	s6 =	simm.s32 $_tile_overlayer_lowered  }
0x9b: {  	s22 =	simm.s32 $0x1BFF;
	s21 =	sshll.u32 s6, $0x1;
	s3 =	sadd.s32 s4, s19  }
0x9c: {  	s7 =	simm.s32 $0x0;
	s20 =	sshll.u32 s5, $0x1;
	s5 =	sadd.s32 s21, s3  }
0x9d: {  	[timem:s7], [sflag:s22] =	dma.local [hbm:s5], s20  }
0x9e: {  	_ =	swait.ge [sflag:s22], s20  }
0x9f: {  	s4 =	ssub.s32 $0x0, s20;
	[sflag:s22] =	ssyncset.done $0x0  }
0xa0: {  	[sflag:s22] =	ssyncadd.s32 s4;
	_ =	sdelay $0x1  }
0xa1: {  	s23 =	simm.s32 $0x1B8B  }
0xa2: {  	_ =	swait.ge [sflag:s23], $0x1  }
0xa3: {  	[sflag:s23] =	ssyncset.done $0x0  }
0xa4: {  	s25 =	simm.s32 $0x1B8E;
	s24 =	sld [smem:$0x3FFE];
	[sflag:s23] =	ssyncadd.s32 $0xFFFFFFFF  }
0xa5: {  	s26 =	simm.s32 $execute0_lowered;
	[smem:$0x3FD2] =	sst s25  }
0xa6: {  	s5 =	sshll.u32 s26, $0x1;
	_ =	strace $0x80000046;
	[dreg:$0x1] =	wrdreg $0xFFFFFFFF  }
0xa7: {  	s28 =	simm.s32 $_size_execute0_lowered;
	s3 =	sadd.s32 s3, s5;
	[dreg:$0x0] =	wrdreg $0x0  }
0xa8: {  	s5 =	sshll.u32 s28, $0x1;
	[dreg:$0x2] =	wrdreg s3  }
0xa9: {  	[dreg:$0x3] =	wrdreg s5  }
0xaa: {  	[dreg:$0x4] =	wrdreg $0xC0  }
0xab: {  	_ =	task [dreg:s7], $0x5FFFF  }
0xac: {  	[dreg:$0x1] =	wrdreg $0xFFFFFFFF  }
0xad: {  	[dreg:$0x0] =	wrdreg $0x60  }
0xae: {  	[dreg:$0x2] =	wrdreg s24  }
0xaf: {  	[dreg:$0x3] =	wrdreg s2  }
0xb0: {  	[dreg:$0x4] =	wrdreg $0x0  }
0xb1: {  	[dreg:$0x5] =	wrdreg $0x9  }
0xb2: {  	_ =	task.clear_ibuf [dreg:s7], $0x6FFFF;
	_ =	strace $0x90000046  }
0xb3: {  	s29 =	simm.s32 $0x9;
	_ =	strace $0x80000048  }
0xb4: {  	_ =	swait.ge [sflag:s29], $0x1  }
0xb5: {  	[sflag:s29] =	ssyncadd.s32 $0xFFFFFFFF  }
0xb6: {  	_ =	strace $0x90000048  }
0xb7: {  	_ =	sfence  }
0xb8: {  	s30 =	sld [smem:$0x0];
	_ =	sdelay $0x2  }
0xb9: {  	s31 =	sshll.u32 s1, $0xD;
	s1 =	sshrl.u32 s1, $0x2  }
0xba: {  	s3 =	sand.u32 $0x4000, s31;
	s1 =	sadd.s32 s1, s30  }
0xbb: {  	s0 =	sor.u32 s3, s0;
	s1 =	sshll.u32 s1, $0x11  }
0xbc: {  	s0 =	sor.u32 s1, s0  }
0xbd: {  	s0 =	sadd.s32 $0x8F2B, s0  }
0xbe: {  	[sflag:s0] =	ssyncadd.remote.s32 $0x1  }
0xbf: {  	_ =	sfence.sel $0xFFFF  }
0xc0: {  	[dreg:$0x0] =	wrdreg $0xFFFFFFFF;
	(pc) =	sbr.abs _section_cstart, $3  }
0xc1: {  	[dreg:$0x1] =	wrdreg $0xFFFFFFFF  }
0xc2: {  	_ =	task.clear_ibuf [dreg:s7], $0x2FFFF;
	_ =	strace $0x9FFFFFFF  }
0xc3: {  	(tm) =	ssettm $0x7FFFFFFF  }
tec
execute0_lowered:
.L_overlay_start_1:
0x0: {  	(tag) =	ssettag $0x1  }
0x1: {  	s0 =	rddreg [dreg:$0x0]  }
0x2: {  	s3 =	rddreg [dreg:$0x1]  }
0x3: {  	s1 =	rddreg [dreg:$0x2]  }
0x4: {  	s4 =	srdreg.scid;
	s5 =	stileid.u32;
	s2 =	simm.s32 $0x0  }
0x5: {  	s28 =	simm.s32 $0x3;
	s29 =	simm.s32 $0x400;
	s30 =	simm.s32 $0x800  }
0x6: {  	s31 =	simm.s32 $0x2;
	s4 =	sand.u32 $0x1, s4;
	s9 =	smul.u32 $0xC80000, s5  }
0x7: {  	s6 =	sshll.u32 s5, $0x1;
	[smem:$0x7FF] =	sst s2;
	s13 =	smul.u32 $0xC800, s5  }
0x8: {  	s7 =	sadd.s32 $0x19C00, s0;
	s8 =	sadd.s32 $0xC00, s0;
	s23 =	smul.u32 $0x190000, s5  }
0x9: {  	s12 =	sadd.s32 $0x32C00, s0;
	s0 =	sadd.s32 $0x4BC00, s0;
	s10 =	smul.u32 $0x640000, s4  }
0xa: {  	p0 =	sne.s32 s5, $0x0;
	s6 =	sor.u32 s4, s6;
	s18 =	smul.u32 $0x6400, s4  }
0xb: {  	_ =	strace $0x80000047;
	s16 =	ssub.s32 $0x2, s4;
	s4 =	smul.u32 $0xC8000, s4  }
0xc: {  	[dreg:$0x4] =	wrdreg s0;
	s6 =	smul.u32 $0x6400, s6;
	s11 =	sshrl.u32 s16, $0x1  }
0xd: {  	s0 =	ssub.s32 s16, s11;
	s19 =	sadd.s32 s10, s9;
	s21 =	sadd.s32 s18, s13  }
0xe: {  	s18 =	simm.s32 $0x25E8;
	s6 =	sshrl.u32 s6, $0x3;
	s0 =	smax.u32 s0, $0x1  }
0xf: {  	s20 =	sshrl.u32 s19, $0x3;
	s22 =	sor.u32 $0x100, s21;
	s19 =	simm.s32 $0x26E8  }
0x10: {  	s17 =	sadd.s32 s7, s6;
	s14 =	sadd.s32 s8, s6;
	s6 =	sadd.s32 s12, s6  }
0x11: {  	[dreg:$0x8] =	wrdreg s0;
	s0 =	sadd.s32 s20, s3;
	s24 =	sshrl.u32 s22, $0x3  }
0x12: {  	s3 =	sadd.s32 s23, s3;
	s20 =	simm.s32 $0x1;
	[dreg:$0x5] =	wrdreg s17  }
0x13: {  	s22 =	simm.s32 $0x27E8;
	s23 =	simm.s32 $0xA7E8;
	[dreg:$0x6] =	wrdreg s14  }
0x14: {  	[dreg:$0x7] =	wrdreg s6;
	s0 =	sadd.s32 $0x80, s0;
	s9 =	sadd.s32 s24, s12  }
0x15: {  	s6 =	sor.u32 $0x80, s21;
	s10 =	sadd.s32 s24, s8;
	s3 =	sadd.s32 s4, s3  }
0x16: {  	s11 =	sadd.s32 s24, s7;
	s17 =	simm.s32 $0x24E8;
	s21 =	simm.s32 $0x80  }
0x17: {  	v0 =	vlaneseq.u32;
	s24 =	simm.s32 $0x2568;
	s4 =	simm.s32 $0x4;
	[dreg:$0x9] =	wrdreg s0  }
.Ltmp0:
0x18: {  	v7 =	vmul.u32 $0x80, v0;
	s25 =	sshrl.u32 s6, $0x3;
	s26 =	sadd.s32 $0x1080, s3;
	(pc) =	sbr.rel .LBB2_1-.Ltmp0, $4  }
0x19: {  	s0 =	sshrl.u32 @!p0 s1, $0x3;
	s3 =	simm.s32 $0xE7E8;
	s6 =	simm.s32 $0x6  }
0x1a: {  	v0 =	vor.u32 $0x7F, v7;
	v1 =	vor.u32 $0x87F, v7;
	[dreg:$0xa] =	wrdreg s26;
	s13 =	sadd.s32 s25, s12;
	s14 =	sadd.s32 s25, s8  }
0x1b: {  	v2 =	vor.u32 $0x107F, v7;
	v3 =	vor.u32 $0x187F, v7;
	v4 =	vor.u32 $0x207F, v7;
	s15 =	sadd.s32 s25, s7;
	[dreg:$0xb] =	wrdreg s0;
	s25 =	simm.s32 $0x2668  }
0x1c: {  	v5 =	vor.u32 $0x287F, v7;
	v6 =	vor.u32 $0x307F, v7;
	v7 =	vor.u32 $0x387F, v7;
	s26 =	simm.s32 $0x2768;
	s0 =	simm.s32 $0x67E8;
	s7 =	simm.s32 $0x0  }
.LBB2_7:
0x1d: {  	s5 =	simm.s32 $0x5  }
0x1e: {  	_ =	swait.ge [sflag:s5], $0x4000  }
0x1f: {  	[sflag:s5] =	ssyncset.done $0x0  }
0x20: {  	[sflag:s5] =	ssyncadd.s32 $0xFFFFC000  }
0x21: {  	_ =	swait.ge [sflag:s5], $0x4000  }
0x22: {  	[sflag:s5] =	ssyncset.done $0x0  }
0x23: {  	[sflag:s5] =	ssyncadd.s32 $0xFFFFC000  }
0x24: {  	_ =	swait.ge [sflag:s6], $0x4000  }
0x25: {  	[sflag:s6] =	ssyncset.done $0x0  }
0x26: {  	[sflag:s6] =	ssyncadd.s32 $0xFFFFC000  }
0x27: {  	_ =	swait.ge [sflag:s6], $0x4000  }
0x28: {  	s7 =	sadd.s32 $0x1, s7;
	s16 =	rddreg [dreg:$0x8]  }
0x29: {  	p1 =	sne.s32 s7, s16  }
.Ltmp1:
0x2a: {  	_ = 	snop;
	(pc) =	sbr.rel @!p1 .LBB2_8-.Ltmp1, $3  }
0x2b: {  	_ =	sdelay $0x1  }
0x2c: {  	[sflag:s6] =	ssyncset.done $0x0  }
0x2d: {  	[sflag:s6] =	ssyncadd.s32 $0xFFFFC000  }
.LBB2_1:
0x2e: {  	s5 =	rddreg [dreg:$0x4]  }
0x2f: {  	s8 =	simm.s32 @!p0 $0x1C07;
	s12 =	rddreg [dreg:$0xb]  }
0x30: {  	[spmem:s12], [sflag:s8] =	dma.local @!p0 [hbm:s5], $0x49D0  }
0x31: {  	s8 =	simm.s32 @!p0 $0x7  }
0x32: {  	_ =	swait.ge @!p0 [sflag:s8], $0x49D0  }
0x33: {  	[sflag:s8] =	ssyncset.done @!p0 $0x0  }
0x34: {  	[sflag:s8] =	ssyncadd.s32 @!p0 $0xFFFFB630  }
0x35: {  	[bflag:$0x0] =	sbarrier.arrive $0xFFFF  }
0x36: {  	s8 =	rddreg [dreg:$0x5]  }
0x37: {  	s12 =	rddreg [dreg:$0x6]  }
0x38: {  	[tilespmem:s17], [sflag:$0x1] =	stream.linear.gather [hbm4b:s8+s2], $0x80, $0x38;
	[tilespmem:$0x127E8] =	vst v63  }
.Ltmp2:
0x39: {  	s16 =	rddreg [dreg:$0x7];
	(pc) =	sbr.rel .LBB2_2-.Ltmp2, $4  }
0x3a: {  	[tilespmem:s18], [sflag:$0x1] =	stream.linear.gather [hbm4b:s12+s2], $0x80, $0x38;
	[tilespmem:$0x127E8] =	vst v63  }
0x3b: {  	s8 =	rddreg [dreg:$0x9]  }
0x3c: {  	[tilespmem:s19], [sflag:$0x1] =	stream.linear.gather [hbm4b:s16+s2], $0x80, $0x38;
	[tilespmem:$0x127E8] =	vst v63  }
0x3d: {  	s12 =	rddreg [dreg:$0xa];
	s16 =	simm.s32 $0x0  }
.LBB2_3:
0x3e: {  	[tilespmem:s0], [sflag:$0x4] =	stream.indirect.gather [spmem:s1], $0x80, s24, s21, $0xb8;
	[tilespmem:$0x127E8] =	vst v63  }
0x3f: {  	_ = 	snop  }
0x40: {  	[tilespmem:s3], [sflag:$0x4] =	stream.indirect.gather [spmem:s1], $0x80, s25, s21, $0xb8;
	[tilespmem:$0x127E8] =	vst v63  }
.LBB2_5:
0x41: {  	s5 =	sadd.s32 s16, s11  }
0x42: {  	[tilespmem:s17], [sflag:$0x1] =	stream.linear.gather [hbm4b:s5+s2], $0x80, $0x38;
	[tilespmem:$0x127E8] =	vst v63  }
0x43: {  	s5 =	sadd.s32 s16, s10  }
0x44: {  	[tilespmem:s18], [sflag:$0x1] =	stream.linear.gather [hbm4b:s5+s2], $0x80, $0x38;
	[tilespmem:$0x127E8] =	vst v63  }
0x45: {  	s5 =	sadd.s32 s16, s9  }
0x46: {  	[tilespmem:s19], [sflag:$0x1] =	stream.linear.gather [hbm4b:s5+s2], $0x80, $0x38;
	[tilespmem:$0x127E8] =	vst v63  }
.LBB2_6:
0x47: {  	_ =	swait.ge [sflag:s4], $0x4000  }
0x48: {  	[sflag:s4] =	ssyncset.done $0x0  }
0x49: {  	[sflag:s4] =	ssyncadd.s32 $0xFFFFC000  }
0x4a: {  	_ =	swait.ge [sflag:s4], $0x4000  }
0x4b: {  	[sflag:s4] =	ssyncset.done $0x0  }
0x4c: {  	[sflag:s4] =	ssyncadd.s32 $0xFFFFC000  }
0x4d: {  	v8 =	vld [tilespmem:$0x2768];
	_ =	sdelay $0x4  }
0x4e: {  	[tilespmem:v0+s0+$0x0] =	vst.idx.msk $0xffff, v8  }
0x4f: {  	v8 =	vld [tilespmem:$0x2778];
	_ =	sdelay $0x4  }
0x50: {  	[tilespmem:v1+s0+$0x0] =	vst.idx.msk $0xffff, v8  }
0x51: {  	v8 =	vld [tilespmem:$0x2788];
	_ =	sdelay $0x4  }
0x52: {  	[tilespmem:v2+s0+$0x0] =	vst.idx.msk $0xffff, v8  }
0x53: {  	v8 =	vld [tilespmem:$0x2798];
	_ =	sdelay $0x4  }
0x54: {  	[tilespmem:v3+s0+$0x0] =	vst.idx.msk $0xffff, v8  }
0x55: {  	v8 =	vld [tilespmem:$0x27A8];
	_ =	sdelay $0x4  }
0x56: {  	[tilespmem:v4+s0+$0x0] =	vst.idx.msk $0xffff, v8  }
0x57: {  	v8 =	vld [tilespmem:$0x27B8];
	_ =	sdelay $0x4  }
0x58: {  	[tilespmem:v5+s0+$0x0] =	vst.idx.msk $0xffff, v8  }
0x59: {  	v8 =	vld [tilespmem:$0x27C8];
	_ =	sdelay $0x4  }
0x5a: {  	[tilespmem:v6+s0+$0x0] =	vst.idx.msk $0xffff, v8  }
0x5b: {  	v8 =	vld [tilespmem:$0x27D8];
	_ =	sdelay $0x2  }
0x5c: {  	s16 =	sadd.s32 $0x20, s16  }
0x5d: {  	p1 =	sne.s32 s16, $0xC80  }
.Ltmp3:
0x5e: {  	s5 =	sadd.s32 $0xFFFFFF80, s12;
	[tilespmem:v7+s0+$0x0] =	vst.idx.msk $0xffff, v8;
	(pc) =	sbr.rel @!p1 .LBB2_7-.Ltmp3, $4  }
0x5f: {  	[hbm4b:s5+s29] =	stream.strided.scatter [tilespmem:s0], [sflag:$0x6], $0x4000, s30, s29, $0x38;
	[tilespmem:$0x127E8] =	vst v63  }
0x60: {  	_ = 	snop  }
0x61: {  	[hbm4b:s12+s29] =	stream.strided.scatter [tilespmem:s3], [sflag:$0x6], $0x4000, s30, s29, $0x38;
	[tilespmem:$0x127E8] =	vst v63  }
0x62: {  	s8 =	sadd.s32 $0x2000, s8;
	s12 =	sadd.s32 $0x2000, s12  }
.LBB2_2:
0x63: {  	_ =	swait.ge [sflag:s20], $0x80  }
0x64: {  	[sflag:s20] =	ssyncset.done $0x0  }
0x65: {  	[sflag:s20] =	ssyncadd.s32 $0xFFFFFF80  }
0x66: {  	_ =	swait.ge [sflag:s20], $0x80  }
0x67: {  	[sflag:s20] =	ssyncset.done $0x0  }
0x68: {  	[sflag:s20] =	ssyncadd.s32 $0xFFFFFF80  }
0x69: {  	_ =	swait.ge [sflag:s20], $0x80  }
0x6a: {  	p1 =	seq.s32 s16, $0x0;
	[sflag:s20] =	ssyncset.done $0x0  }
0x6b: {  	s5 =	simm.s32 @!p1 $0x5;
	[sflag:s20] =	ssyncadd.s32 $0xFFFFFF80  }
0x6c: {  	_ =	swait.ge @!p1 [sflag:s5], $0x4000  }
0x6d: {  	[sflag:s5] =	ssyncset.done @!p1 $0x0  }
0x6e: {  	[sflag:s5] =	ssyncadd.s32 @!p1 $0xFFFFC000  }
0x6f: {  	_ =	swait.ge @!p1 [sflag:s5], $0x4000  }
0x70: {  	[sflag:s5] =	ssyncset.done @!p1 $0x0  }
0x71: {  	[sflag:s5] =	ssyncadd.s32 @!p1 $0xFFFFC000  }
0x72: {  	[tilespmem:s22], [sflag:$0x3] =	stream.indirect.gather [spmem:s1], $0x80, s17, s21, $0xb8;
	[tilespmem:$0x127E8] =	vst v63  }
0x73: {  	_ = 	snop  }
0x74: {  	[tilespmem:s23], [sflag:$0x3] =	stream.indirect.gather [spmem:s1], $0x80, s18, s21, $0xb8;
	[tilespmem:$0x127E8] =	vst v63  }
0x75: {  	s5 =	sadd.s32 s16, s15  }
0x76: {  	[tilespmem:s24], [sflag:$0x2] =	stream.linear.gather [hbm4b:s5+s2], $0x80, $0x38;
	[tilespmem:$0x127E8] =	vst v63  }
0x77: {  	s5 =	sadd.s32 s16, s14  }
0x78: {  	[tilespmem:s25], [sflag:$0x2] =	stream.linear.gather [hbm4b:s5+s2], $0x80, $0x38;
	[tilespmem:$0x127E8] =	vst v63  }
0x79: {  	s5 =	sadd.s32 s16, s13  }
0x7a: {  	[tilespmem:s26], [sflag:$0x2] =	stream.linear.gather [hbm4b:s5+s2], $0x80, $0x38;
	[tilespmem:$0x127E8] =	vst v63  }
0x7b: {  	_ =	swait.ge [sflag:s28], $0x4000  }
0x7c: {  	[sflag:s28] =	ssyncset.done $0x0  }
0x7d: {  	[sflag:s28] =	ssyncadd.s32 $0xFFFFC000  }
0x7e: {  	_ =	swait.ge [sflag:s28], $0x4000  }
0x7f: {  	[sflag:s28] =	ssyncset.done $0x0  }
0x80: {  	[sflag:s28] =	ssyncadd.s32 $0xFFFFC000  }
0x81: {  	v8 =	vld [tilespmem:$0x26E8];
	_ =	sdelay $0x4  }
0x82: {  	[tilespmem:v0+s22+$0x0] =	vst.idx.msk $0xffff, v8  }
0x83: {  	v8 =	vld [tilespmem:$0x26F8];
	_ =	sdelay $0x4  }
0x84: {  	[tilespmem:v1+s22+$0x0] =	vst.idx.msk $0xffff, v8  }
0x85: {  	v8 =	vld [tilespmem:$0x2708];
	_ =	sdelay $0x4  }
0x86: {  	[tilespmem:v2+s22+$0x0] =	vst.idx.msk $0xffff, v8  }
0x87: {  	v8 =	vld [tilespmem:$0x2718];
	_ =	sdelay $0x4  }
0x88: {  	[tilespmem:v3+s22+$0x0] =	vst.idx.msk $0xffff, v8  }
0x89: {  	v8 =	vld [tilespmem:$0x2728];
	_ =	sdelay $0x4  }
0x8a: {  	[tilespmem:v4+s22+$0x0] =	vst.idx.msk $0xffff, v8  }
0x8b: {  	v8 =	vld [tilespmem:$0x2738];
	_ =	sdelay $0x4  }
0x8c: {  	[tilespmem:v5+s22+$0x0] =	vst.idx.msk $0xffff, v8  }
0x8d: {  	v8 =	vld [tilespmem:$0x2748];
	_ =	sdelay $0x4  }
0x8e: {  	[tilespmem:v6+s22+$0x0] =	vst.idx.msk $0xffff, v8  }
0x8f: {  	v8 =	vld [tilespmem:$0x2758];
	_ =	sdelay $0x4  }
0x90: {  	s5 =	sadd.s32 $0xFFFFFF80, s8;
	[tilespmem:v7+s22+$0x0] =	vst.idx.msk $0xffff, v8  }
0x91: {  	[hbm4b:s5+s29] =	stream.strided.scatter [tilespmem:s22], [sflag:$0x5], $0x4000, s30, s29, $0x38;
	[tilespmem:$0x127E8] =	vst v63  }
0x92: {  	_ = 	snop  }
0x93: {  	[hbm4b:s8+s29] =	stream.strided.scatter [tilespmem:s23], [sflag:$0x5], $0x4000, s30, s29, $0x38;
	[tilespmem:$0x127E8] =	vst v63  }
0x94: {  	_ =	swait.ge [sflag:s31], $0x80  }
0x95: {  	[sflag:s31] =	ssyncset.done $0x0  }
0x96: {  	[sflag:s31] =	ssyncadd.s32 $0xFFFFFF80  }
0x97: {  	p1 =	sne.s32 s16, $0x0;
	_ =	swait.ge [sflag:s31], $0x80  }
.Ltmp4:
0x98: {  	[sflag:s31] =	ssyncset.done $0x0;
	(pc) =	sbr.rel @!p1 .LBB2_3-.Ltmp4, $4  }
0x99: {  	[sflag:s31] =	ssyncadd.s32 $0xFFFFFF80  }
0x9a: {  	_ =	swait.ge [sflag:s31], $0x80  }
0x9b: {  	[sflag:s31] =	ssyncset.done $0x0  }
0x9c: {  	[sflag:s31] =	ssyncadd.s32 $0xFFFFFF80  }
0x9d: {  	_ =	swait.ge [sflag:s6], $0x4000  }
0x9e: {  	[sflag:s6] =	ssyncset.done $0x0  }
0x9f: {  	[sflag:s6] =	ssyncadd.s32 $0xFFFFC000  }
0xa0: {  	p1 =	seq.s32 s16, $0xC60;
	_ =	swait.ge [sflag:s6], $0x4000  }
.Ltmp5:
0xa1: {  	[sflag:s6] =	ssyncset.done $0x0;
	(pc) =	sbr.rel @p1 .LBB2_6-.Ltmp5, $4  }
.Ltmp6:
0xa2: {  	[sflag:s6] =	ssyncadd.s32 $0xFFFFC000;
	(pc) =	sbr.rel @!p1 .LBB2_5-.Ltmp6, $4  }
0xa3: {  	[tilespmem:s0], [sflag:$0x4] =	stream.indirect.gather [spmem:s1], $0x80, s24, s21, $0xb8;
	[tilespmem:$0x127E8] =	vst v63  }
0xa4: {  	_ = 	snop  }
0xa5: {  	[tilespmem:s3], [sflag:$0x4] =	stream.indirect.gather [spmem:s1], $0x80, s25, s21, $0xb8;
	[tilespmem:$0x127E8] =	vst v63  }
0xa6: {  	_ = 	snop  }
.LBB2_8:
0xa7: {  	_ =	sfence.sel $0x180000  }
0xa8: {  	[bflag:$0x0] =	sbarrier.arrive $0xFFFF  }
0xa9: {  	_ =	strace $0x90000047  }
0xaa: {  	[bflag:$0x2] =	sbarrier.arrive $0xFFFF  }
0xab: {  	s0 =	rddreg [dreg:$0x3]  }
0xac: {  	s0 =	sadd.s32 @!p0 $0x100000, s0  }
0xad: {  	[sflag:s0] =	ssyncadd.tile.s32 @!p0 $0x1;
	_ =	shalt  }
.Lfunc_end2:
_tile_overlayer_lowered:
.L_overlay_start_2:
0xae: {  	(tag) =	ssettag $0x2  }
0xaf: {  	s0 =	rddreg [dreg:$0x0];
	s2 =	stileid.u32  }
0xb0: {  	s1 =	rddreg [dreg:$0x1];
	p0 =	sne.s32 s2, $0x0  }
0xb1: {  	s3 =	rddreg [dreg:$0x2];
	[bflag:$0x3] =	sbarrier.arrive $0xFFFF;
	s2 =	simm.s32 @!p0 $0x1C07  }
0xb2: {  	[timem:s3], [sflag:s2] =	dma.local @!p0 [hbm:s0], s1  }
0xb3: {  	s0 =	simm.s32 @!p0 $0x7  }
0xb4: {  	_ =	swait.ge @!p0 [sflag:s0], s1  }
0xb5: {  	s1 =	ssub.s32 @!p0 $0x0, s1;
	[sflag:s0] =	ssyncset.done @!p0 $0x0  }
0xb6: {  	[sflag:s0] =	ssyncadd.s32 @!p0 s1  }
0xb7: {  	[bflag:$0x3] =	sbarrier.arrive $0xFFFF  }
0xb8: {  	_ =	shalt  }

</sc_bundles>
